<compile_context>
chip_gen: v7x
topology: tpu7x:2x2x1
jax: 0.10.2.dev20260603
libtpu: 0.0.44.dev20260713+nightly
codegen_flags: <defaults>
</compile_context>

<pallas_src>
import functools

import jax
import jax.numpy as jnp
from jax import lax
from jax.experimental import pallas as pl
from jax.experimental.pallas import tpu as pltpu
from jax.experimental.pallas import tpu_sc as plsc

V = 1000000
D = 16
H = 50
O = 3
B = 4096
L = 200

NC = 2
NS = 16
NW = NC * NS

N = B * L
B_PER_W = N // NW

VBLK = 65536


def _vocab_body(tT_ref, w1_ref, b1_ref, w2_ref, b2_ref, p0_ref, pw_ref):
    eT = tT_ref[...].astype(jnp.bfloat16)
    w1 = w1_ref[...].astype(jnp.bfloat16)
    hT = lax.dot_general(w1, eT, (((0,), (0,)), ((), ())),
                         preferred_element_type=jnp.float32)
    hT = jnp.maximum(hT + b1_ref[...], 0).astype(jnp.bfloat16)
    w2 = w2_ref[...].astype(jnp.bfloat16)
    lT = lax.dot_general(w2, hT, (((0,), (0,)), ((), ())),
                         preferred_element_type=jnp.float32)
    lT = lT + b2_ref[...]
    z = jnp.sum(jnp.exp(lT), axis=0, keepdims=True)
    lsm = lT - jnp.log(z)
    p0_ref[...] = lax.bitcast_convert_type(lsm[0], jnp.uint32)
    b1u = lax.bitcast_convert_type(lsm[1], jnp.uint32)
    b2u = lax.bitcast_convert_type(lsm[2], jnp.uint32)
    pw_ref[...] = (b1u & jnp.uint32(0xFFFF0000)) | (b2u >> 16)


def _vocab_mlp(tableT, W1, b1c, W2, b2c):
    grid = (pl.cdiv(V, VBLK),)
    return pl.pallas_call(
        _vocab_body,
        grid=grid,
        in_specs=[
            pl.BlockSpec((D, VBLK), lambda i: (0, i)),
            pl.BlockSpec((D, H), lambda i: (0, 0)),
            pl.BlockSpec((H, 1), lambda i: (0, 0)),
            pl.BlockSpec((H, O), lambda i: (0, 0)),
            pl.BlockSpec((O, 1), lambda i: (0, 0)),
        ],
        out_specs=[
            pl.BlockSpec((VBLK,), lambda i: (i,)),
            pl.BlockSpec((VBLK,), lambda i: (i,)),
        ],
        out_shape=[
            jax.ShapeDtypeStruct((V,), jnp.uint32),
            jax.ShapeDtypeStruct((V,), jnp.uint32),
        ],
    )(tableT, W1, b1c, W2, b2c)


def _plane_body(p0_hbm, pw_hbm, idx_hbm, out_hbm, idx_v, d0, dw, d1, d2, sem):
    wid = lax.axis_index("s") * NC + lax.axis_index("c")
    base = wid * B_PER_W
    pltpu.sync_copy(idx_hbm.at[pl.ds(base, B_PER_W)], idx_v)
    c0 = pltpu.async_copy(p0_hbm.at[idx_v], d0, sem)
    cw = pltpu.async_copy(pw_hbm.at[idx_v], dw, sem)
    c0.wait()
    cw.wait()

    def unpack(i, carry):
        w = dw[pl.ds(i * 16, 16)]
        d1[pl.ds(i * 16, 16)] = w & jnp.uint32(0xFFFF0000)
        d2[pl.ds(i * 16, 16)] = w << jnp.uint32(16)
        return carry

    lax.fori_loop(0, B_PER_W // 16, unpack, 0, unroll=8)
    pltpu.sync_copy(d0, out_hbm.at[0, pl.ds(base, B_PER_W)])
    pltpu.sync_copy(d1, out_hbm.at[1, pl.ds(base, B_PER_W)])
    pltpu.sync_copy(d2, out_hbm.at[2, pl.ds(base, B_PER_W)])


_plane_gather = pl.kernel(
    _plane_body,
    out_type=jax.ShapeDtypeStruct((O, N), jnp.uint32),
    mesh=plsc.VectorSubcoreMesh(core_axis_name="c", subcore_axis_name="s"),
    scratch_types=[
        pltpu.VMEM((B_PER_W,), jnp.int32),
        pltpu.VMEM((B_PER_W,), jnp.uint32),
        pltpu.VMEM((B_PER_W,), jnp.uint32),
        pltpu.VMEM((B_PER_W,), jnp.uint32),
        pltpu.VMEM((B_PER_W,), jnp.uint32),
        pltpu.SemaphoreType.DMA,
    ],
    compiler_params=pltpu.CompilerParams(use_tc_tiling_on_sc=False),
)


def kernel(x, table, W1, b1, W2, b2):
    tableT = table.T
    p0, pw = _vocab_mlp(tableT, W1, b1.reshape(H, 1), W2, b2.reshape(O, 1))
    idxT = x.T.reshape(-1).astype(jnp.int32)
    planes = _plane_gather(p0, pw, idxT)
    planes = lax.bitcast_convert_type(planes, jnp.float32)
    return planes.reshape(O, L, B).transpose(2, 1, 0)

# --- scband reference (transcript-rebuilt; emitter-appended) ---
"""Pipeline reference for scband-protein-nn-9191230013718 (READ-ONLY COPY).

The authoritative reference and input builder live on the scoring server;
editing this copy changes nothing except your own understanding.
"""

import jax, jax.numpy as jnp
import numpy as np

V = 1000000
D = 16
H = 50
O = 3
B = 4096
L = 200


def setup_inputs(seed: int = 0) -> dict:
    key = jax.random.key(seed)
    ks = jax.random.split(key, 6)
    x = jax.random.randint(ks[0], (B, L), 0, V, dtype=jnp.int64 if jax.config.read('jax_enable_x64') else jnp.int32)
    table = jax.random.normal(ks[1], (V, D), dtype=jnp.float32) * 0.02
    W1 = jax.random.normal(ks[2], (D, H), dtype=jnp.float32) * (1.0 / np.sqrt(D))
    b1 = jnp.zeros((H,), dtype=jnp.float32)
    W2 = jax.random.normal(ks[3], (H, O), dtype=jnp.float32) * (1.0 / np.sqrt(H))
    b2 = jnp.zeros((O,), dtype=jnp.float32)
    return {"x": x, "table": table, "W1": W1, "b1": b1, "W2": W2, "b2": b2}


def reference(x, table, W1, b1, W2, b2):
    # nn.Embedding: gather rows of the table
    emb = jnp.take(table, x, axis=0)          # [B, L, D]
    h = jax.nn.relu(emb @ W1 + b1)             # [B, L, H]
    logits = h @ W2 + b2                       # [B, L, O]
    out = jax.nn.log_softmax(logits, axis=2)   # LogSoftmax(dim=2)
    return out

if __name__ == "__main__":
    import jax
    _d = setup_inputs()
    print(jax.jit(kernel)(*tuple(_d.values())))

</pallas_src>

<mosaic_0001>
#map = affine_map<(d0, d1) -> (0)>
#map1 = affine_map<(d0, d1) -> (0, 0)>
module attributes {stable_mosaic.version = 14 : i64} {
  func.func @_plane_body(%arg0: i32, %arg1: i32, %arg2: memref<1000000xi32, #tpu.memory_space<hbm>>, %arg3: memref<1000000xi32, #tpu.memory_space<hbm>>, %arg4: memref<819200xi32, #tpu.memory_space<hbm>>, %arg5: memref<3x819200xi32, #tpu.memory_space<hbm>>, %arg6: memref<25600xi32, #tpu.memory_space<vmem>>, %arg7: memref<25600xi32, #tpu.memory_space<vmem>>, %arg8: memref<25600xi32, #tpu.memory_space<vmem>>, %arg9: memref<25600xi32, #tpu.memory_space<vmem>>, %arg10: memref<25600xi32, #tpu.memory_space<vmem>>, %arg11: memref<!tpu.dma_semaphore, #tpu.memory_space<semaphore_mem>>) attributes {dimension_semantics = [#tpu.dimension_semantics<core_parallel>, #tpu.dimension_semantics<subcore_parallel>], iteration_bounds = array<i64: 2, 16>, scalar_prefetch = 0 : i64, scratch_operands = 6 : i64, tpu.core_type = #tpu.core_type<sc_vector_subcore>, window_params = [{transform_indices = #map}, {transform_indices = #map}, {transform_indices = #map}, {transform_indices = #map1}]} {
    %mul3A = arith.constant 2 : i32
    %mul3A_0 = arith.muli %arg1, %mul3A : i32
    %add3A = arith.addi %mul3A_0, %arg0 : i32
    %mul3A_1 = arith.constant 25600 : i32
    %mul3A_2 = arith.muli %add3A, %mul3A_1 : i32
    "tpu.region"() ({
      %run_scoped3A_16 = tpu.sem_alloc : memref<!tpu.dma_semaphore, #tpu.memory_space<semaphore_mem>>
      %dma_start3A_17 = tpu.memref_slice %arg4[%mul3A_2] : memref<819200xi32, #tpu.memory_space<hbm>> -> memref<25600xi32, #tpu.memory_space<hbm>>
      %dma_start3A_18 = tpu.memref_slice %arg4[%mul3A_2] : memref<819200xi32, #tpu.memory_space<hbm>> -> memref<25600xi32, #tpu.memory_space<hbm>>
      tpu.enqueue_dma source(%dma_start3A_18 : memref<25600xi32, #tpu.memory_space<hbm>>) target(%arg6 : memref<25600xi32, #tpu.memory_space<vmem>>) target_semaphore(%run_scoped3A_16 : memref<!tpu.dma_semaphore, #tpu.memory_space<semaphore_mem>>)
      %dma_wait3A_19 = tpu.memref_slice %arg4[%mul3A_2] : memref<819200xi32, #tpu.memory_space<hbm>> -> memref<25600xi32, #tpu.memory_space<hbm>>
      %dma_wait3A_20 = tpu.memref_slice %arg4[%mul3A_2] : memref<819200xi32, #tpu.memory_space<hbm>> -> memref<25600xi32, #tpu.memory_space<hbm>>
      tpu.wait_dma2 semaphore(%run_scoped3A_16 : memref<!tpu.dma_semaphore, #tpu.memory_space<semaphore_mem>>) src(%dma_wait3A_20 : memref<25600xi32, #tpu.memory_space<hbm>>) dst(%arg6 : memref<25600xi32, #tpu.memory_space<vmem>>)
      tpu.yield
    }) : () -> ()
    %dma_start3A = arith.constant 0 : i32
    %dma_start3A_3 = tpu.memref_slice %arg2[%dma_start3A] : memref<1000000xi32, #tpu.memory_space<hbm>> -> memref<1000000xi32, #tpu.memory_space<hbm>>
    tpu.enqueue_indirect_dma source(%dma_start3A_3 : memref<1000000xi32, #tpu.memory_space<hbm>>) target(%arg7 : memref<25600xi32, #tpu.memory_space<vmem>>) offsets(%arg6 : memref<25600xi32, #tpu.memory_space<vmem>>) semaphore(%arg11 : memref<!tpu.dma_semaphore, #tpu.memory_space<semaphore_mem>>)
    %dma_start3A_4 = arith.constant 0 : i32
    %dma_start3A_5 = tpu.memref_slice %arg3[%dma_start3A_4] : memref<1000000xi32, #tpu.memory_space<hbm>> -> memref<1000000xi32, #tpu.memory_space<hbm>>
    tpu.enqueue_indirect_dma source(%dma_start3A_5 : memref<1000000xi32, #tpu.memory_space<hbm>>) target(%arg8 : memref<25600xi32, #tpu.memory_space<vmem>>) offsets(%arg6 : memref<25600xi32, #tpu.memory_space<vmem>>) semaphore(%arg11 : memref<!tpu.dma_semaphore, #tpu.memory_space<semaphore_mem>>)
    %dma_wait3A = arith.constant 0 : i32
    %dma_wait3A_6 = tpu.memref_slice %arg2[%dma_wait3A] : memref<1000000xi32, #tpu.memory_space<hbm>> -> memref<1000000xi32, #tpu.memory_space<hbm>>
    tpu.wait_indirect_dma semaphore(%arg11 : memref<!tpu.dma_semaphore, #tpu.memory_space<semaphore_mem>>) src(%dma_wait3A_6 : memref<1000000xi32, #tpu.memory_space<hbm>>) dst(%arg7 : memref<25600xi32, #tpu.memory_space<vmem>>)
    %dma_wait3A_7 = arith.constant 0 : i32
    %dma_wait3A_8 = tpu.memref_slice %arg3[%dma_wait3A_7] : memref<1000000xi32, #tpu.memory_space<hbm>> -> memref<1000000xi32, #tpu.memory_space<hbm>>
    tpu.wait_indirect_dma semaphore(%arg11 : memref<!tpu.dma_semaphore, #tpu.memory_space<semaphore_mem>>) src(%dma_wait3A_8 : memref<1000000xi32, #tpu.memory_space<hbm>>) dst(%arg8 : memref<25600xi32, #tpu.memory_space<vmem>>)
    %scan3A = arith.constant 0 : i32
    %scan3A_9 = arith.constant 0 : i32
    %scan3A_10 = arith.constant 1600 : i32
    %scan3A_11 = arith.addi %scan3A_9, %scan3A_10 : i32
    %scan3A_12 = arith.constant 8 : i32
    scf.for %scan3A_16 = %scan3A_9 to %scan3A_11 step %scan3A_12  : i32 {
      %mul3A_17 = arith.constant 16 : i32
      %mul3A_18 = arith.muli %scan3A_16, %mul3A_17 : i32
      %get3A = arith.index_cast %mul3A_18 : i32 to index
      %get3A_19 = tpu.vector_load %arg8[%get3A] {strides = array<i32>} : memref<25600xi32, #tpu.memory_space<vmem>>, vector<16xi32>,
      %get3A_20 = vector.shape_cast %get3A_19 : vector<16xi32> to vector<16xi32>
      %and3A = arith.constant -65536 : i32
      %and3A_21 = vector.broadcast %and3A : i32 to vector<16xi32>
      %and3A_22 = arith.andi %get3A_20, %and3A_21 : vector<16xi32>
      %mul3A_23 = arith.constant 16 : i32
      %mul3A_24 = arith.muli %scan3A_16, %mul3A_23 : i32
      %swap3A = arith.index_cast %mul3A_24 : i32 to index
      %swap3A_25 = tpu.vector_load %arg9[%swap3A] {strides = array<i32>} : memref<25600xi32, #tpu.memory_space<vmem>>, vector<16xi32>,
      %swap3A_26 = vector.shape_cast %swap3A_25 : vector<16xi32> to vector<16xi32>
      %swap3A_27 = vector.shape_cast %and3A_22 : vector<16xi32> to vector<16xi32>
      tpu.vector_store %arg9[%swap3A], %swap3A_27 {strides = array<i32>} : memref<25600xi32, #tpu.memory_space<vmem>>, vector<16xi32>,
      %shift_left3A = arith.constant 16 : i32
      %shift_left3A_28 = vector.broadcast %shift_left3A : i32 to vector<16xi32>
      %shift_left3A_29 = arith.shli %get3A_20, %shift_left3A_28 : vector<16xi32>
      %mul3A_30 = arith.constant 16 : i32
      %mul3A_31 = arith.muli %scan3A_16, %mul3A_30 : i32
      %swap3A_32 = arith.index_cast %mul3A_31 : i32 to index
      %swap3A_33 = tpu.vector_load %arg10[%swap3A_32] {strides = array<i32>} : memref<25600xi32, #tpu.memory_space<vmem>>, vector<16xi32>,
      %swap3A_34 = vector.shape_cast %swap3A_33 : vector<16xi32> to vector<16xi32>
      %swap3A_35 = vector.shape_cast %shift_left3A_29 : vector<16xi32> to vector<16xi32>
      tpu.vector_store %arg10[%swap3A_32], %swap3A_35 {strides = array<i32>} : memref<25600xi32, #tpu.memory_space<vmem>>, vector<16xi32>,
      %scan3A_36 = arith.constant 1 : i32
      %scan3A_37 = arith.addi %scan3A_16, %scan3A_36 : i32
      %mul3A_38 = arith.constant 16 : i32
      %mul3A_39 = arith.muli %scan3A_37, %mul3A_38 : i32
      %get3A_40 = arith.index_cast %mul3A_39 : i32 to index
      %get3A_41 = tpu.vector_load %arg8[%get3A_40] {strides = array<i32>} : memref<25600xi32, #tpu.memory_space<vmem>>, vector<16xi32>,
      %get3A_42 = vector.shape_cast %get3A_41 : vector<16xi32> to vector<16xi32>
      %and3A_43 = arith.constant -65536 : i32
      %and3A_44 = vector.broadcast %and3A_43 : i32 to vector<16xi32>
      %and3A_45 = arith.andi %get3A_42, %and3A_44 : vector<16xi32>
      %mul3A_46 = arith.constant 16 : i32
      %mul3A_47 = arith.muli %scan3A_37, %mul3A_46 : i32
      %swap3A_48 = arith.index_cast %mul3A_47 : i32 to index
      %swap3A_49 = tpu.vector_load %arg9[%swap3A_48] {strides = array<i32>} : memref<25600xi32, #tpu.memory_space<vmem>>, vector<16xi32>,
      %swap3A_50 = vector.shape_cast %swap3A_49 : vector<16xi32> to vector<16xi32>
      %swap3A_51 = vector.shape_cast %and3A_45 : vector<16xi32> to vector<16xi32>
      tpu.vector_store %arg9[%swap3A_48], %swap3A_51 {strides = array<i32>} : memref<25600xi32, #tpu.memory_space<vmem>>, vector<16xi32>,
      %shift_left3A_52 = arith.constant 16 : i32
      %shift_left3A_53 = vector.broadcast %shift_left3A_52 : i32 to vector<16xi32>
      %shift_left3A_54 = arith.shli %get3A_42, %shift_left3A_53 : vector<16xi32>
      %mul3A_55 = arith.constant 16 : i32
      %mul3A_56 = arith.muli %scan3A_37, %mul3A_55 : i32
      %swap3A_57 = arith.index_cast %mul3A_56 : i32 to index
      %swap3A_58 = tpu.vector_load %arg10[%swap3A_57] {strides = array<i32>} : memref<25600xi32, #tpu.memory_space<vmem>>, vector<16xi32>,
      %swap3A_59 = vector.shape_cast %swap3A_58 : vector<16xi32> to vector<16xi32>
      %swap3A_60 = vector.shape_cast %shift_left3A_54 : vector<16xi32> to vector<16xi32>
      tpu.vector_store %arg10[%swap3A_57], %swap3A_60 {strides = array<i32>} : memref<25600xi32, #tpu.memory_space<vmem>>, vector<16xi32>,
      %scan3A_61 = arith.constant 2 : i32
      %scan3A_62 = arith.addi %scan3A_16, %scan3A_61 : i32
      %mul3A_63 = arith.constant 16 : i32
      %mul3A_64 = arith.muli %scan3A_62, %mul3A_63 : i32
      %get3A_65 = arith.index_cast %mul3A_64 : i32 to index
      %get3A_66 = tpu.vector_load %arg8[%get3A_65] {strides = array<i32>} : memref<25600xi32, #tpu.memory_space<vmem>>, vector<16xi32>,
      %get3A_67 = vector.shape_cast %get3A_66 : vector<16xi32> to vector<16xi32>
      %and3A_68 = arith.constant -65536 : i32
      %and3A_69 = vector.broadcast %and3A_68 : i32 to vector<16xi32>
      %and3A_70 = arith.andi %get3A_67, %and3A_69 : vector<16xi32>
      %mul3A_71 = arith.constant 16 : i32
      %mul3A_72 = arith.muli %scan3A_62, %mul3A_71 : i32
      %swap3A_73 = arith.index_cast %mul3A_72 : i32 to index
      %swap3A_74 = tpu.vector_load %arg9[%swap3A_73] {strides = array<i32>} : memref<25600xi32, #tpu.memory_space<vmem>>, vector<16xi32>,
      %swap3A_75 = vector.shape_cast %swap3A_74 : vector<16xi32> to vector<16xi32>
      %swap3A_76 = vector.shape_cast %and3A_70 : vector<16xi32> to vector<16xi32>
      tpu.vector_store %arg9[%swap3A_73], %swap3A_76 {strides = array<i32>} : memref<25600xi32, #tpu.memory_space<vmem>>, vector<16xi32>,
      %shift_left3A_77 = arith.constant 16 : i32
      %shift_left3A_78 = vector.broadcast %shift_left3A_77 : i32 to vector<16xi32>
      %shift_left3A_79 = arith.shli %get3A_67, %shift_left3A_78 : vector<16xi32>
      %mul3A_80 = arith.constant 16 : i32
      %mul3A_81 = arith.muli %scan3A_62, %mul3A_80 : i32
      %swap3A_82 = arith.index_cast %mul3A_81 : i32 to index
      %swap3A_83 = tpu.vector_load %arg10[%swap3A_82] {strides = array<i32>} : memref<25600xi32, #tpu.memory_space<vmem>>, vector<16xi32>,
      %swap3A_84 = vector.shape_cast %swap3A_83 : vector<16xi32> to vector<16xi32>
      %swap3A_85 = vector.shape_cast %shift_left3A_79 : vector<16xi32> to vector<16xi32>
      tpu.vector_store %arg10[%swap3A_82], %swap3A_85 {strides = array<i32>} : memref<25600xi32, #tpu.memory_space<vmem>>, vector<16xi32>,
      %scan3A_86 = arith.constant 3 : i32
      %scan3A_87 = arith.addi %scan3A_16, %scan3A_86 : i32
      %mul3A_88 = arith.constant 16 : i32
      %mul3A_89 = arith.muli %scan3A_87, %mul3A_88 : i32
      %get3A_90 = arith.index_cast %mul3A_89 : i32 to index
      %get3A_91 = tpu.vector_load %arg8[%get3A_90] {strides = array<i32>} : memref<25600xi32, #tpu.memory_space<vmem>>, vector<16xi32>,
      %get3A_92 = vector.shape_cast %get3A_91 : vector<16xi32> to vector<16xi32>
      %and3A_93 = arith.constant -65536 : i32
      %and3A_94 = vector.broadcast %and3A_93 : i32 to vector<16xi32>
      %and3A_95 = arith.andi %get3A_92, %and3A_94 : vector<16xi32>
      %mul3A_96 = arith.constant 16 : i32
      %mul3A_97 = arith.muli %scan3A_87, %mul3A_96 : i32
      %swap3A_98 = arith.index_cast %mul3A_97 : i32 to index
      %swap3A_99 = tpu.vector_load %arg9[%swap3A_98] {strides = array<i32>} : memref<25600xi32, #tpu.memory_space<vmem>>, vector<16xi32>,
      %swap3A_100 = vector.shape_cast %swap3A_99 : vector<16xi32> to vector<16xi32>
      %swap3A_101 = vector.shape_cast %and3A_95 : vector<16xi32> to vector<16xi32>
      tpu.vector_store %arg9[%swap3A_98], %swap3A_101 {strides = array<i32>} : memref<25600xi32, #tpu.memory_space<vmem>>, vector<16xi32>,
      %shift_left3A_102 = arith.constant 16 : i32
      %shift_left3A_103 = vector.broadcast %shift_left3A_102 : i32 to vector<16xi32>
      %shift_left3A_104 = arith.shli %get3A_92, %shift_left3A_103 : vector<16xi32>
      %mul3A_105 = arith.constant 16 : i32
      %mul3A_106 = arith.muli %scan3A_87, %mul3A_105 : i32
      %swap3A_107 = arith.index_cast %mul3A_106 : i32 to index
      %swap3A_108 = tpu.vector_load %arg10[%swap3A_107] {strides = array<i32>} : memref<25600xi32, #tpu.memory_space<vmem>>, vector<16xi32>,
      %swap3A_109 = vector.shape_cast %swap3A_108 : vector<16xi32> to vector<16xi32>
      %swap3A_110 = vector.shape_cast %shift_left3A_104 : vector<16xi32> to vector<16xi32>
      tpu.vector_store %arg10[%swap3A_107], %swap3A_110 {strides = array<i32>} : memref<25600xi32, #tpu.memory_space<vmem>>, vector<16xi32>,
      %scan3A_111 = arith.constant 4 : i32
      %scan3A_112 = arith.addi %scan3A_16, %scan3A_111 : i32
      %mul3A_113 = arith.constant 16 : i32
      %mul3A_114 = arith.muli %scan3A_112, %mul3A_113 : i32
      %get3A_115 = arith.index_cast %mul3A_114 : i32 to index
      %get3A_116 = tpu.vector_load %arg8[%get3A_115] {strides = array<i32>} : memref<25600xi32, #tpu.memory_space<vmem>>, vector<16xi32>,
      %get3A_117 = vector.shape_cast %get3A_116 : vector<16xi32> to vector<16xi32>
      %and3A_118 = arith.constant -65536 : i32
      %and3A_119 = vector.broadcast %and3A_118 : i32 to vector<16xi32>
      %and3A_120 = arith.andi %get3A_117, %and3A_119 : vector<16xi32>
      %mul3A_121 = arith.constant 16 : i32
      %mul3A_122 = arith.muli %scan3A_112, %mul3A_121 : i32
      %swap3A_123 = arith.index_cast %mul3A_122 : i32 to index
      %swap3A_124 = tpu.vector_load %arg9[%swap3A_123] {strides = array<i32>} : memref<25600xi32, #tpu.memory_space<vmem>>, vector<16xi32>,
      %swap3A_125 = vector.shape_cast %swap3A_124 : vector<16xi32> to vector<16xi32>
      %swap3A_126 = vector.shape_cast %and3A_120 : vector<16xi32> to vector<16xi32>
      tpu.vector_store %arg9[%swap3A_123], %swap3A_126 {strides = array<i32>} : memref<25600xi32, #tpu.memory_space<vmem>>, vector<16xi32>,
      %shift_left3A_127 = arith.constant 16 : i32
      %shift_left3A_128 = vector.broadcast %shift_left3A_127 : i32 to vector<16xi32>
      %shift_left3A_129 = arith.shli %get3A_117, %shift_left3A_128 : vector<16xi32>
      %mul3A_130 = arith.constant 16 : i32
      %mul3A_131 = arith.muli %scan3A_112, %mul3A_130 : i32
      %swap3A_132 = arith.index_cast %mul3A_131 : i32 to index
      %swap3A_133 = tpu.vector_load %arg10[%swap3A_132] {strides = array<i32>} : memref<25600xi32, #tpu.memory_space<vmem>>, vector<16xi32>,
      %swap3A_134 = vector.shape_cast %swap3A_133 : vector<16xi32> to vector<16xi32>
      %swap3A_135 = vector.shape_cast %shift_left3A_129 : vector<16xi32> to vector<16xi32>
      tpu.vector_store %arg10[%swap3A_132], %swap3A_135 {strides = array<i32>} : memref<25600xi32, #tpu.memory_space<vmem>>, vector<16xi32>,
      %scan3A_136 = arith.constant 5 : i32
      %scan3A_137 = arith.addi %scan3A_16, %scan3A_136 : i32
      %mul3A_138 = arith.constant 16 : i32
      %mul3A_139 = arith.muli %scan3A_137, %mul3A_138 : i32
      %get3A_140 = arith.index_cast %mul3A_139 : i32 to index
      %get3A_141 = tpu.vector_load %arg8[%get3A_140] {strides = array<i32>} : memref<25600xi32, #tpu.memory_space<vmem>>, vector<16xi32>,
      %get3A_142 = vector.shape_cast %get3A_141 : vector<16xi32> to vector<16xi32>
      %and3A_143 = arith.constant -65536 : i32
      %and3A_144 = vector.broadcast %and3A_143 : i32 to vector<16xi32>
      %and3A_145 = arith.andi %get3A_142, %and3A_144 : vector<16xi32>
      %mul3A_146 = arith.constant 16 : i32
      %mul3A_147 = arith.muli %scan3A_137, %mul3A_146 : i32
      %swap3A_148 = arith.index_cast %mul3A_147 : i32 to index
      %swap3A_149 = tpu.vector_load %arg9[%swap3A_148] {strides = array<i32>} : memref<25600xi32, #tpu.memory_space<vmem>>, vector<16xi32>,
      %swap3A_150 = vector.shape_cast %swap3A_149 : vector<16xi32> to vector<16xi32>
      %swap3A_151 = vector.shape_cast %and3A_145 : vector<16xi32> to vector<16xi32>
      tpu.vector_store %arg9[%swap3A_148], %swap3A_151 {strides = array<i32>} : memref<25600xi32, #tpu.memory_space<vmem>>, vector<16xi32>,
      %shift_left3A_152 = arith.constant 16 : i32
      %shift_left3A_153 = vector.broadcast %shift_left3A_152 : i32 to vector<16xi32>
      %shift_left3A_154 = arith.shli %get3A_142, %shift_left3A_153 : vector<16xi32>
      %mul3A_155 = arith.constant 16 : i32
      %mul3A_156 = arith.muli %scan3A_137, %mul3A_155 : i32
      %swap3A_157 = arith.index_cast %mul3A_156 : i32 to index
      %swap3A_158 = tpu.vector_load %arg10[%swap3A_157] {strides = array<i32>} : memref<25600xi32, #tpu.memory_space<vmem>>, vector<16xi32>,
      %swap3A_159 = vector.shape_cast %swap3A_158 : vector<16xi32> to vector<16xi32>
      %swap3A_160 = vector.shape_cast %shift_left3A_154 : vector<16xi32> to vector<16xi32>
      tpu.vector_store %arg10[%swap3A_157], %swap3A_160 {strides = array<i32>} : memref<25600xi32, #tpu.memory_space<vmem>>, vector<16xi32>,
      %scan3A_161 = arith.constant 6 : i32
      %scan3A_162 = arith.addi %scan3A_16, %scan3A_161 : i32
      %mul3A_163 = arith.constant 16 : i32
      %mul3A_164 = arith.muli %scan3A_162, %mul3A_163 : i32
      %get3A_165 = arith.index_cast %mul3A_164 : i32 to index
      %get3A_166 = tpu.vector_load %arg8[%get3A_165] {strides = array<i32>} : memref<25600xi32, #tpu.memory_space<vmem>>, vector<16xi32>,
      %get3A_167 = vector.shape_cast %get3A_166 : vector<16xi32> to vector<16xi32>
      %and3A_168 = arith.constant -65536 : i32
      %and3A_169 = vector.broadcast %and3A_168 : i32 to vector<16xi32>
      %and3A_170 = arith.andi %get3A_167, %and3A_169 : vector<16xi32>
      %mul3A_171 = arith.constant 16 : i32
      %mul3A_172 = arith.muli %scan3A_162, %mul3A_171 : i32
      %swap3A_173 = arith.index_cast %mul3A_172 : i32 to index
      %swap3A_174 = tpu.vector_load %arg9[%swap3A_173] {strides = array<i32>} : memref<25600xi32, #tpu.memory_space<vmem>>, vector<16xi32>,
      %swap3A_175 = vector.shape_cast %swap3A_174 : vector<16xi32> to vector<16xi32>
      %swap3A_176 = vector.shape_cast %and3A_170 : vector<16xi32> to vector<16xi32>
      tpu.vector_store %arg9[%swap3A_173], %swap3A_176 {strides = array<i32>} : memref<25600xi32, #tpu.memory_space<vmem>>, vector<16xi32>,
      %shift_left3A_177 = arith.constant 16 : i32
      %shift_left3A_178 = vector.broadcast %shift_left3A_177 : i32 to vector<16xi32>
      %shift_left3A_179 = arith.shli %get3A_167, %shift_left3A_178 : vector<16xi32>
      %mul3A_180 = arith.constant 16 : i32
      %mul3A_181 = arith.muli %scan3A_162, %mul3A_180 : i32
      %swap3A_182 = arith.index_cast %mul3A_181 : i32 to index
      %swap3A_183 = tpu.vector_load %arg10[%swap3A_182] {strides = array<i32>} : memref<25600xi32, #tpu.memory_space<vmem>>, vector<16xi32>,
      %swap3A_184 = vector.shape_cast %swap3A_183 : vector<16xi32> to vector<16xi32>
      %swap3A_185 = vector.shape_cast %shift_left3A_179 : vector<16xi32> to vector<16xi32>
      tpu.vector_store %arg10[%swap3A_182], %swap3A_185 {strides = array<i32>} : memref<25600xi32, #tpu.memory_space<vmem>>, vector<16xi32>,
      %scan3A_186 = arith.constant 7 : i32
      %scan3A_187 = arith.addi %scan3A_16, %scan3A_186 : i32
      %mul3A_188 = arith.constant 16 : i32
      %mul3A_189 = arith.muli %scan3A_187, %mul3A_188 : i32
      %get3A_190 = arith.index_cast %mul3A_189 : i32 to index
      %get3A_191 = tpu.vector_load %arg8[%get3A_190] {strides = array<i32>} : memref<25600xi32, #tpu.memory_space<vmem>>, vector<16xi32>,
      %get3A_192 = vector.shape_cast %get3A_191 : vector<16xi32> to vector<16xi32>
      %and3A_193 = arith.constant -65536 : i32
      %and3A_194 = vector.broadcast %and3A_193 : i32 to vector<16xi32>
      %and3A_195 = arith.andi %get3A_192, %and3A_194 : vector<16xi32>
      %mul3A_196 = arith.constant 16 : i32
      %mul3A_197 = arith.muli %scan3A_187, %mul3A_196 : i32
      %swap3A_198 = arith.index_cast %mul3A_197 : i32 to index
      %swap3A_199 = tpu.vector_load %arg9[%swap3A_198] {strides = array<i32>} : memref<25600xi32, #tpu.memory_space<vmem>>, vector<16xi32>,
      %swap3A_200 = vector.shape_cast %swap3A_199 : vector<16xi32> to vector<16xi32>
      %swap3A_201 = vector.shape_cast %and3A_195 : vector<16xi32> to vector<16xi32>
      tpu.vector_store %arg9[%swap3A_198], %swap3A_201 {strides = array<i32>} : memref<25600xi32, #tpu.memory_space<vmem>>, vector<16xi32>,
      %shift_left3A_202 = arith.constant 16 : i32
      %shift_left3A_203 = vector.broadcast %shift_left3A_202 : i32 to vector<16xi32>
      %shift_left3A_204 = arith.shli %get3A_192, %shift_left3A_203 : vector<16xi32>
      %mul3A_205 = arith.constant 16 : i32
      %mul3A_206 = arith.muli %scan3A_187, %mul3A_205 : i32
      %swap3A_207 = arith.index_cast %mul3A_206 : i32 to index
      %swap3A_208 = tpu.vector_load %arg10[%swap3A_207] {strides = array<i32>} : memref<25600xi32, #tpu.memory_space<vmem>>, vector<16xi32>,
      %swap3A_209 = vector.shape_cast %swap3A_208 : vector<16xi32> to vector<16xi32>
      %swap3A_210 = vector.shape_cast %shift_left3A_204 : vector<16xi32> to vector<16xi32>
      tpu.vector_store %arg10[%swap3A_207], %swap3A_210 {strides = array<i32>} : memref<25600xi32, #tpu.memory_space<vmem>>, vector<16xi32>,
    }
    %scan3A_13 = arith.constant 1600 : i32
    %run_scoped3A = arith.constant 0 : i32
    "tpu.region"() ({
      %run_scoped3A_16 = tpu.sem_alloc : memref<!tpu.dma_semaphore, #tpu.memory_space<semaphore_mem>>
      %dma_start3A_17 = tpu.memref_slice %arg5[%run_scoped3A, %mul3A_2] : memref<3x819200xi32, #tpu.memory_space<hbm>> -> memref<1x25600xi32, #tpu.memory_space<hbm>>
      %dma_start3A_18 = tpu.memref_squeeze %dma_start3A_17 : memref<1x25600xi32, #tpu.memory_space<hbm>> -> memref<25600xi32, #tpu.memory_space<hbm>>
      %dma_start3A_19 = tpu.memref_slice %arg5[%run_scoped3A, %mul3A_2] : memref<3x819200xi32, #tpu.memory_space<hbm>> -> memref<1x25600xi32, #tpu.memory_space<hbm>>
      %dma_start3A_20 = tpu.memref_squeeze %dma_start3A_19 : memref<1x25600xi32, #tpu.memory_space<hbm>> -> memref<25600xi32, #tpu.memory_space<hbm>>
      tpu.enqueue_dma source(%arg7 : memref<25600xi32, #tpu.memory_space<vmem>>) target(%dma_start3A_20 : memref<25600xi32, #tpu.memory_space<hbm>>) target_semaphore(%run_scoped3A_16 : memref<!tpu.dma_semaphore, #tpu.memory_space<semaphore_mem>>)
      %dma_wait3A_21 = tpu.memref_slice %arg5[%run_scoped3A, %mul3A_2] : memref<3x819200xi32, #tpu.memory_space<hbm>> -> memref<1x25600xi32, #tpu.memory_space<hbm>>
      %dma_wait3A_22 = tpu.memref_squeeze %dma_wait3A_21 : memref<1x25600xi32, #tpu.memory_space<hbm>> -> memref<25600xi32, #tpu.memory_space<hbm>>
      %dma_wait3A_23 = tpu.memref_slice %arg5[%run_scoped3A, %mul3A_2] : memref<3x819200xi32, #tpu.memory_space<hbm>> -> memref<1x25600xi32, #tpu.memory_space<hbm>>
      %dma_wait3A_24 = tpu.memref_squeeze %dma_wait3A_23 : memref<1x25600xi32, #tpu.memory_space<hbm>> -> memref<25600xi32, #tpu.memory_space<hbm>>
      tpu.wait_dma2 semaphore(%run_scoped3A_16 : memref<!tpu.dma_semaphore, #tpu.memory_space<semaphore_mem>>) src(%arg7 : memref<25600xi32, #tpu.memory_space<vmem>>) dst(%dma_wait3A_24 : memref<25600xi32, #tpu.memory_space<hbm>>)
      tpu.yield
    }) : () -> ()
    %run_scoped3A_14 = arith.constant 1 : i32
    "tpu.region"() ({
      %run_scoped3A_16 = tpu.sem_alloc : memref<!tpu.dma_semaphore, #tpu.memory_space<semaphore_mem>>
      %dma_start3A_17 = tpu.memref_slice %arg5[%run_scoped3A_14, %mul3A_2] : memref<3x819200xi32, #tpu.memory_space<hbm>> -> memref<1x25600xi32, #tpu.memory_space<hbm>>
      %dma_start3A_18 = tpu.memref_squeeze %dma_start3A_17 : memref<1x25600xi32, #tpu.memory_space<hbm>> -> memref<25600xi32, #tpu.memory_space<hbm>>
      %dma_start3A_19 = tpu.memref_slice %arg5[%run_scoped3A_14, %mul3A_2] : memref<3x819200xi32, #tpu.memory_space<hbm>> -> memref<1x25600xi32, #tpu.memory_space<hbm>>
      %dma_start3A_20 = tpu.memref_squeeze %dma_start3A_19 : memref<1x25600xi32, #tpu.memory_space<hbm>> -> memref<25600xi32, #tpu.memory_space<hbm>>
      tpu.enqueue_dma source(%arg9 : memref<25600xi32, #tpu.memory_space<vmem>>) target(%dma_start3A_20 : memref<25600xi32, #tpu.memory_space<hbm>>) target_semaphore(%run_scoped3A_16 : memref<!tpu.dma_semaphore, #tpu.memory_space<semaphore_mem>>)
      %dma_wait3A_21 = tpu.memref_slice %arg5[%run_scoped3A_14, %mul3A_2] : memref<3x819200xi32, #tpu.memory_space<hbm>> -> memref<1x25600xi32, #tpu.memory_space<hbm>>
      %dma_wait3A_22 = tpu.memref_squeeze %dma_wait3A_21 : memref<1x25600xi32, #tpu.memory_space<hbm>> -> memref<25600xi32, #tpu.memory_space<hbm>>
      %dma_wait3A_23 = tpu.memref_slice %arg5[%run_scoped3A_14, %mul3A_2] : memref<3x819200xi32, #tpu.memory_space<hbm>> -> memref<1x25600xi32, #tpu.memory_space<hbm>>
      %dma_wait3A_24 = tpu.memref_squeeze %dma_wait3A_23 : memref<1x25600xi32, #tpu.memory_space<hbm>> -> memref<25600xi32, #tpu.memory_space<hbm>>
      tpu.wait_dma2 semaphore(%run_scoped3A_16 : memref<!tpu.dma_semaphore, #tpu.memory_space<semaphore_mem>>) src(%arg9 : memref<25600xi32, #tpu.memory_space<vmem>>) dst(%dma_wait3A_24 : memref<25600xi32, #tpu.memory_space<hbm>>)
      tpu.yield
    }) : () -> ()
    %run_scoped3A_15 = arith.constant 2 : i32
    "tpu.region"() ({
      %run_scoped3A_16 = tpu.sem_alloc : memref<!tpu.dma_semaphore, #tpu.memory_space<semaphore_mem>>
      %dma_start3A_17 = tpu.memref_slice %arg5[%run_scoped3A_15, %mul3A_2] : memref<3x819200xi32, #tpu.memory_space<hbm>> -> memref<1x25600xi32, #tpu.memory_space<hbm>>
      %dma_start3A_18 = tpu.memref_squeeze %dma_start3A_17 : memref<1x25600xi32, #tpu.memory_space<hbm>> -> memref<25600xi32, #tpu.memory_space<hbm>>
      %dma_start3A_19 = tpu.memref_slice %arg5[%run_scoped3A_15, %mul3A_2] : memref<3x819200xi32, #tpu.memory_space<hbm>> -> memref<1x25600xi32, #tpu.memory_space<hbm>>
      %dma_start3A_20 = tpu.memref_squeeze %dma_start3A_19 : memref<1x25600xi32, #tpu.memory_space<hbm>> -> memref<25600xi32, #tpu.memory_space<hbm>>
      tpu.enqueue_dma source(%arg10 : memref<25600xi32, #tpu.memory_space<vmem>>) target(%dma_start3A_20 : memref<25600xi32, #tpu.memory_space<hbm>>) target_semaphore(%run_scoped3A_16 : memref<!tpu.dma_semaphore, #tpu.memory_space<semaphore_mem>>)
      %dma_wait3A_21 = tpu.memref_slice %arg5[%run_scoped3A_15, %mul3A_2] : memref<3x819200xi32, #tpu.memory_space<hbm>> -> memref<1x25600xi32, #tpu.memory_space<hbm>>
      %dma_wait3A_22 = tpu.memref_squeeze %dma_wait3A_21 : memref<1x25600xi32, #tpu.memory_space<hbm>> -> memref<25600xi32, #tpu.memory_space<hbm>>
      %dma_wait3A_23 = tpu.memref_slice %arg5[%run_scoped3A_15, %mul3A_2] : memref<3x819200xi32, #tpu.memory_space<hbm>> -> memref<1x25600xi32, #tpu.memory_space<hbm>>
      %dma_wait3A_24 = tpu.memref_squeeze %dma_wait3A_23 : memref<1x25600xi32, #tpu.memory_space<hbm>> -> memref<25600xi32, #tpu.memory_space<hbm>>
      tpu.wait_dma2 semaphore(%run_scoped3A_16 : memref<!tpu.dma_semaphore, #tpu.memory_space<semaphore_mem>>) src(%arg10 : memref<25600xi32, #tpu.memory_space<vmem>>) dst(%dma_wait3A_24 : memref<25600xi32, #tpu.memory_space<hbm>>)
      tpu.yield
    }) : () -> ()
    return
  }
}

module attributes {stable_mosaic.version = 14 : i64} {
  func.func @_vocab_body(%arg0: i32, %arg1: memref<16x65536xf32, #tpu.memory_space<vmem>>, %arg2: memref<16x50xf32, #tpu.memory_space<vmem>>, %arg3: memref<50x1xf32, #tpu.memory_space<vmem>>, %arg4: memref<50x3xf32, #tpu.memory_space<vmem>>, %arg5: memref<3x1xf32, #tpu.memory_space<vmem>>, %arg6: memref<65536xi32, #tpu.memory_space<vmem>>, %arg7: memref<65536xi32, #tpu.memory_space<vmem>>) attributes {dimension_semantics = [#tpu.dimension_semantics<arbitrary>], iteration_bounds = array<i64: 16>, scalar_prefetch = 0 : i64, scratch_operands = 0 : i64, tpu.core_type = #tpu.core_type<tc>, window_params = [{transform_indices = @transform_0, window_bounds = array<i64: 16, 65536>}, {pipeline_mode = #tpu.pipeline_mode<synchronous>, transform_indices = @transform_1, window_bounds = array<i64: 16, 50>}, {pipeline_mode = #tpu.pipeline_mode<synchronous>, transform_indices = @transform_2, window_bounds = array<i64: 50, 1>}, {pipeline_mode = #tpu.pipeline_mode<synchronous>, transform_indices = @transform_3, window_bounds = array<i64: 50, 3>}, {pipeline_mode = #tpu.pipeline_mode<synchronous>, transform_indices = @transform_4, window_bounds = array<i64: 3, 1>}, {transform_indices = @transform_5, window_bounds = array<i64: 65536>}, {transform_indices = @transform_6, window_bounds = array<i64: 65536>}]} {
    %get3A = arith.constant 0 : index
    %get3A_0 = arith.constant 0 : index
    %get3A_1 = vector.load %arg1[%get3A, %get3A_0] : memref<16x65536xf32, #tpu.memory_space<vmem>>, vector<16x65536xf32>
    %convert_element_type3A = arith.truncf %get3A_1 : vector<16x65536xf32> to vector<16x65536xbf16>
    %get3A_2 = arith.constant 0 : index
    %get3A_3 = arith.constant 0 : index
    %get3A_4 = vector.load %arg2[%get3A_2, %get3A_3] : memref<16x50xf32, #tpu.memory_space<vmem>>, vector<16x50xf32>
    %convert_element_type3A_5 = arith.truncf %get3A_4 : vector<16x50xf32> to vector<16x50xbf16>
    %dot_general3A = arith.constant dense<0.000000e+00> : vector<50x65536xf32>
    %dot_general3A_6 = tpu.matmul %convert_element_type3A_5, %convert_element_type3A, %dot_general3A {dimension_numbers = #tpu.dot_dimension_numbers<[0], [0], [1], [1], [0, 1, 1, 1], [], []>, transpose_lhs_hint = false} : vector<16x50xbf16>, vector<16x65536xbf16>, vector<50x65536xf32> -> vector<50x65536xf32>
    %get3A_7 = arith.constant 0 : index
    %get3A_8 = arith.constant 0 : index
    %get3A_9 = vector.load %arg3[%get3A_7, %get3A_8] : memref<50x1xf32, #tpu.memory_space<vmem>>, vector<50x1xf32>
    %add3A = vector.broadcast %get3A_9 : vector<50x1xf32> to vector<50x65536xf32>
    %add3A_10 = arith.addf %dot_general3A_6, %add3A : vector<50x65536xf32>
    %max3A = arith.constant 0.000000e+00 : f32
    %max3A_11 = vector.broadcast %max3A : f32 to vector<50x65536xf32>
    %max3A_12 = arith.maximumf %add3A_10, %max3A_11 : vector<50x65536xf32>
    %convert_element_type3A_13 = arith.truncf %max3A_12 : vector<50x65536xf32> to vector<50x65536xbf16>
    %get3A_14 = arith.constant 0 : index
    %get3A_15 = arith.constant 0 : index
    %get3A_16 = vector.load %arg4[%get3A_14, %get3A_15] : memref<50x3xf32, #tpu.memory_space<vmem>>, vector<50x3xf32>
    %convert_element_type3A_17 = arith.truncf %get3A_16 : vector<50x3xf32> to vector<50x3xbf16>
    %dot_general3A_18 = arith.constant dense<0.000000e+00> : vector<3x65536xf32>
    %dot_general3A_19 = tpu.matmul %convert_element_type3A_17, %convert_element_type3A_13, %dot_general3A_18 {dimension_numbers = #tpu.dot_dimension_numbers<[0], [0], [1], [1], [0, 1, 1, 1], [], []>, transpose_lhs_hint = false} : vector<50x3xbf16>, vector<50x65536xbf16>, vector<3x65536xf32> -> vector<3x65536xf32>
    %get3A_20 = arith.constant 0 : index
    %get3A_21 = arith.constant 0 : index
    %get3A_22 = vector.load %arg5[%get3A_20, %get3A_21] : memref<3x1xf32, #tpu.memory_space<vmem>>, vector<3x1xf32>
    %add3A_23 = vector.broadcast %get3A_22 : vector<3x1xf32> to vector<3x65536xf32>
    %add3A_24 = arith.addf %dot_general3A_19, %add3A_23 : vector<3x65536xf32>
    %exp3A = math.exp %add3A_24 : vector<3x65536xf32>
    %reduce_sum3A = arith.constant dense<0.000000e+00> : vector<65536xf32>
    %reduce_sum3A_25 = vector.multi_reduction <add>, %exp3A, %reduce_sum3A [0] : vector<3x65536xf32> to vector<65536xf32>
    %broadcast_in_dim3A = vector.shape_cast %reduce_sum3A_25 : vector<65536xf32> to vector<1x65536xf32>
    %log3A = math.log %broadcast_in_dim3A : vector<1x65536xf32>
    %sub3A = vector.broadcast %log3A : vector<1x65536xf32> to vector<3x65536xf32>
    %sub3A_26 = arith.subf %add3A_24, %sub3A : vector<3x65536xf32>
    %slice3A = vector.extract_strided_slice %sub3A_26 {offsets = [0, 0], sizes = [1, 65536], strides = [1, 1]} : vector<3x65536xf32> to vector<1x65536xf32>
    %squeeze3A = vector.shape_cast %slice3A : vector<1x65536xf32> to vector<65536xf32>
    %bitcast_convert_type3A = tpu.bitcast %squeeze3A : vector<65536xf32> -> vector<65536xi32>
    %swap3A = arith.constant 0 : index
    %swap3A_27 = vector.load %arg6[%swap3A] : memref<65536xi32, #tpu.memory_space<vmem>>, vector<65536xi32>
    tpu.vector_store %arg6[%swap3A], %bitcast_convert_type3A {strides = array<i32>} : memref<65536xi32, #tpu.memory_space<vmem>>, vector<65536xi32>,
    %slice3A_28 = vector.extract_strided_slice %sub3A_26 {offsets = [1, 0], sizes = [1, 65536], strides = [1, 1]} : vector<3x65536xf32> to vector<1x65536xf32>
    %squeeze3A_29 = vector.shape_cast %slice3A_28 : vector<1x65536xf32> to vector<65536xf32>
    %bitcast_convert_type3A_30 = tpu.bitcast %squeeze3A_29 : vector<65536xf32> -> vector<65536xi32>
    %slice3A_31 = vector.extract_strided_slice %sub3A_26 {offsets = [2, 0], sizes = [1, 65536], strides = [1, 1]} : vector<3x65536xf32> to vector<1x65536xf32>
    %squeeze3A_32 = vector.shape_cast %slice3A_31 : vector<1x65536xf32> to vector<65536xf32>
    %bitcast_convert_type3A_33 = tpu.bitcast %squeeze3A_32 : vector<65536xf32> -> vector<65536xi32>
    %and3A = arith.constant -65536 : i32
    %and3A_34 = vector.broadcast %and3A : i32 to vector<65536xi32>
    %and3A_35 = arith.andi %bitcast_convert_type3A_30, %and3A_34 : vector<65536xi32>
    %shift_right_logical3A = arith.constant 16 : i32
    %shift_right_logical3A_36 = vector.broadcast %shift_right_logical3A : i32 to vector<65536xi32>
    %shift_right_logical3A_37 = arith.shrui %bitcast_convert_type3A_33, %shift_right_logical3A_36 : vector<65536xi32>
    %or3A = arith.ori %and3A_35, %shift_right_logical3A_37 : vector<65536xi32>
    %swap3A_38 = arith.constant 0 : index
    %swap3A_39 = vector.load %arg7[%swap3A_38] : memref<65536xi32, #tpu.memory_space<vmem>>, vector<65536xi32>
    tpu.vector_store %arg7[%swap3A_38], %or3A {strides = array<i32>} : memref<65536xi32, #tpu.memory_space<vmem>>, vector<65536xi32>,
    return
  }
  func.func @transform_0(%arg0: i32) -> (i32, i32) {
    %c0_i32 = arith.constant 0 : i32
    %c0_i32_0 = arith.constant 0 : i32
    return %c0_i32, %arg0 : i32, i32
  }
  func.func @transform_1(%arg0: i32) -> (i32, i32) {
    %c0_i32 = arith.constant 0 : i32
    %c0_i32_0 = arith.constant 0 : i32
    %c0_i32_1 = arith.constant 0 : i32
    return %c0_i32, %c0_i32_0 : i32, i32
  }
  func.func @transform_2(%arg0: i32) -> (i32, i32) {
    %c0_i32 = arith.constant 0 : i32
    %c0_i32_0 = arith.constant 0 : i32
    %c0_i32_1 = arith.constant 0 : i32
    return %c0_i32, %c0_i32_0 : i32, i32
  }
  func.func @transform_3(%arg0: i32) -> (i32, i32) {
    %c0_i32 = arith.constant 0 : i32
    %c0_i32_0 = arith.constant 0 : i32
    %c0_i32_1 = arith.constant 0 : i32
    return %c0_i32, %c0_i32_0 : i32, i32
  }
  func.func @transform_4(%arg0: i32) -> (i32, i32) {
    %c0_i32 = arith.constant 0 : i32
    %c0_i32_0 = arith.constant 0 : i32
    %c0_i32_1 = arith.constant 0 : i32
    return %c0_i32, %c0_i32_0 : i32, i32
  }
  func.func @transform_5(%arg0: i32) -> i32 {
    %c0_i32 = arith.constant 0 : i32
    return %arg0 : i32
  }
  func.func @transform_6(%arg0: i32) -> i32 {
    %c0_i32 = arith.constant 0 : i32
    return %arg0 : i32
  }
}

</mosaic_0001>

<sc_bundles>
// kernel: kernel.4.cloned.1.call-start
scs
__scs_entry_jumppad:
0x0: {  	(pc) =	sbr.rel $0x88, $3  }
0x1: {  	(tag) =	ssettag $0x0;
	lr =	simm.s32 $0x1  }
0x2: {  	[smem:$0x3F9B] =	sst lr;
	_ =	strace $0xD0000000  }
0x3: {  	_ = 	snop  }
0x4: {  	_ = 	snop  }
0x5: {  	_ = 	snop  }
0x6: {  	_ = 	snop  }
0x7: {  	_ = 	snop  }
__scs_overlays_trampoline_lowered:
0x8: {  	[smem:$0x3FAA] =	sst s0  }
0x9: {  	[smem:$0x3FAB] =	sst s1  }
0xa: {  	[smem:$0x3FAC] =	sst s2  }
0xb: {  	[smem:$0x3FAD] =	sst s3  }
0xc: {  	[smem:$0x3FAE] =	sst s4  }
0xd: {  	[smem:$0x3FAF] =	sst s5  }
0xe: {  	[smem:$0x3FB0] =	sst s6  }
0xf: {  	[smem:$0x3FB1] =	sst s7  }
0x10: {  	[smem:$0x3FB2] =	sst s8  }
0x11: {  	[smem:$0x3FB3] =	sst s9;
	s0 =	simm.s32 @!p0 $0x0  }
0x12: {  	s1 =	sld [smem:$0x3F99];
	s0 =	simm.s32 @p0 $0x1  }
0x13: {  	[smem:$0x3FB4] =	sst s0;
	s0 =	simm.s32 @!p1 $0x0  }
0x14: {  	s2 =	sld [smem:$0x3F98];
	s0 =	simm.s32 @p1 $0x1  }
0x15: {  	[smem:$0x3FB5] =	sst s0;
	s0 =	simm.s32 @!p2 $0x0  }
0x16: {  	s3 =	sld [smem:$0x3FDB];
	s0 =	simm.s32 @p2 $0x1  }
0x17: {  	s4 =	simm.s32 $0x1BF5;
	[smem:$0x3FB7] =	sst s0  }
0x18: {  	s0 =	sld [smem:$0x3F9A];
	_ =	swait.ge [sflag:s4], $0x0  }
0x19: {  	s7 =	sld [smem:$0x3F9B]  }
0x1a: {  	s8 =	sadd.s32 $0xFFFFE003, lr  }
0x1b: {  	s9 =	sadd.s32 $0xFFFFFEF7, lr;
	s5 =	simm.s32 $0xFFFFFFFF;
	p2 =	slt.u32 s8, $0xFFFFF086  }
0x1c: {  	p1 =	slt.u32 s9, $0xF7A;
	s5 =	simm.s32 @!p2 $0x0  }
0x1d: {  	s5 =	simm.s32 @p1 $0x1;
	p0 =	seq.s32 s7, s2  }
0x1e: {  	s7 =	smul.u32 @!p0 $0xF7A, s2;
	p2 =	seq.s32 @!p0 s5, $0x0  }
0x1f: {  	s9 =	smul.u32 $0xF7A, s1;
	s8 =	simm.s32 @!p0 $0x1BF5;
	p2 =	por !p2, p0  }
0x20: {  	[sflag:s8] =	ssyncset.s32 @!p0 $0xFFFFF086;
	s6 =	sadd.s32 @!p0 s3, s7;
	s7 =	simm.s32 @!p0 $0x108  }
0x21: {  	s3 =	sadd.s32 s3, s9;
	s6 =	sadd.s32 @!p0 $0x88, s6;
	s7 =	simm.s32 @p2 $0x1082  }
0x22: {  	[simem:s7], [sflag:s8] =	dma.local @!p0 [hbm:s6], $0xF7A  }
0x23: {  	s9 =	sor.u32 $0xD0000000, s2;
	s6 =	simm.s32 $0x108;
	_ =	swait.ge @!p0 [sflag:s8], $0x0  }
0x24: {  	s3 =	sadd.s32 $0x88, s3;
	s6 =	simm.s32 @!p1 $0x1082;
	[sflag:s4] =	ssyncset.s32 $0xFFFFF086  }
0x25: {  	[simem:s6], [sflag:s4] =	dma.local [hbm:s3], $0xF7A  }
0x26: {  	[smem:$0x3F9B] =	sst s1;
	(tag) =	ssettag s2;
	_ =	strace s9  }
0x27: {  	s1 =	sld [smem:$0x3FAB]  }
0x28: {  	s2 =	sld [smem:$0x3FAC]  }
0x29: {  	s4 =	sld [smem:$0x3FAE]  }
0x2a: {  	p0 =	seq.s32 s5, $0x0;
	s5 =	sld [smem:$0x3FAF]  }
0x2b: {  	s6 =	sld [smem:$0x3FB0]  }
0x2c: {  	s7 =	sld [smem:$0x3FB1]  }
0x2d: {  	s3 =	simm.s32 $0x108;
	s8 =	sld [smem:$0x3FB2]  }
0x2e: {  	s3 =	simm.s32 @!p0 $0x1082;
	s9 =	sld [smem:$0x3FB3]  }
0x2f: {  	lr =	sadd.s32 s0, s3;
	s0 =	sld [smem:$0x3FAA]  }
0x30: {  	s3 =	sld [smem:$0x3FAD]  }
0x31: {  	[smem:$0x3FB6] =	sst s10  }
0x32: {  	s10 =	sld [smem:$0x3FB4];
	_ =	sdelay $0x3  }
0x33: {  	p0 =	seq.s32 s10, $0x1;
	s10 =	sld [smem:$0x3FB6];
	_ =	sdelay $0x3  }
0x34: {  	[smem:$0x3FB6] =	sst s10  }
0x35: {  	s10 =	sld [smem:$0x3FB5];
	_ =	sdelay $0x3  }
0x36: {  	p1 =	seq.s32 s10, $0x1;
	s10 =	sld [smem:$0x3FB6];
	_ =	sdelay $0x3  }
0x37: {  	[smem:$0x3FB6] =	sst s10  }
0x38: {  	s10 =	sld [smem:$0x3FB7]  }
0x39: {  	_ = 	snop;
	(pc) =	sbr.ind lr, $3  }
0x3a: {  	_ = 	snop  }
0x3b: {  	_ = 	snop  }
0x3c: {  	p2 =	seq.s32 s10, $0x1;
	s10 =	sld [smem:$0x3FB6]  }
0x3d: {  	_ =	shalt  }
0x3e: {  	_ =	shalt  }
0x3f: {  	_ =	shalt  }
0x40: {  	_ =	shalt  }
0x41: {  	_ =	shalt  }
0x42: {  	_ =	shalt  }
0x43: {  	_ =	shalt  }
0x44: {  	_ =	shalt  }
0x45: {  	_ =	shalt  }
0x46: {  	_ =	shalt  }
0x47: {  	_ =	shalt  }
0x48: {  	_ =	shalt  }
0x49: {  	_ =	shalt  }
0x4a: {  	_ =	shalt  }
0x4b: {  	_ =	shalt  }
0x4c: {  	_ =	shalt  }
0x4d: {  	_ =	shalt  }
0x4e: {  	_ =	shalt  }
0x4f: {  	_ =	shalt  }
0x50: {  	_ =	shalt  }
0x51: {  	_ =	shalt  }
0x52: {  	_ =	shalt  }
0x53: {  	_ =	shalt  }
0x54: {  	_ =	shalt  }
0x55: {  	_ =	shalt  }
0x56: {  	_ =	shalt  }
0x57: {  	_ =	shalt  }
0x58: {  	_ =	shalt  }
0x59: {  	_ =	shalt  }
0x5a: {  	_ =	shalt  }
0x5b: {  	_ =	shalt  }
0x5c: {  	_ =	shalt  }
0x5d: {  	_ =	shalt  }
0x5e: {  	_ =	shalt  }
0x5f: {  	_ =	shalt  }
0x60: {  	_ =	shalt  }
0x61: {  	_ =	shalt  }
0x62: {  	_ =	shalt  }
0x63: {  	_ =	shalt  }
0x64: {  	_ =	shalt  }
0x65: {  	_ =	shalt  }
0x66: {  	_ =	shalt  }
0x67: {  	_ =	shalt  }
0x68: {  	_ =	shalt  }
0x69: {  	_ =	shalt  }
0x6a: {  	_ =	shalt  }
0x6b: {  	_ =	shalt  }
0x6c: {  	_ =	shalt  }
0x6d: {  	_ =	shalt  }
0x6e: {  	_ =	shalt  }
0x6f: {  	_ =	shalt  }
0x70: {  	_ =	shalt  }
0x71: {  	_ =	shalt  }
0x72: {  	_ =	shalt  }
0x73: {  	_ =	shalt  }
0x74: {  	_ =	shalt  }
0x75: {  	_ =	shalt  }
0x76: {  	_ =	shalt  }
0x77: {  	_ =	shalt  }
0x78: {  	_ =	shalt  }
0x79: {  	_ =	shalt  }
0x7a: {  	_ =	shalt  }
0x7b: {  	_ =	shalt  }
0x7c: {  	_ =	shalt  }
0x7d: {  	_ =	shalt  }
0x7e: {  	_ =	shalt  }
0x7f: {  	_ =	shalt  }
0x80: {  	_ =	shalt  }
0x81: {  	_ =	shalt  }
0x82: {  	_ =	shalt  }
0x83: {  	_ =	shalt  }
0x84: {  	_ =	shalt  }
0x85: {  	_ =	shalt  }
0x86: {  	_ =	shalt  }
0x87: {  	_ =	shalt  }
.Lfunc_end0:
.L_simem_size_0:
called_computation_lowered:
.L_overlay_start_0:
0x88: {  	s2 =	sld [smem:$0x3FD9]  }
0x89: {  	s3 =	sld [smem:$0x3FFE];
	_ =	sdelay $0x1  }
0x8a: {  	s1 =	srdreg.scid  }
0x8b: {  	s0 =	sand.u32 $0x1, s1  }
0x8c: {  	s17 =	sshll.u32 s0, $0xA;
	s2 =	sadd.s32 s3, s2  }
0x8d: {  	s2 =	sadd.s32 s2, s17  }
0x8e: {  	[smem:$0x3FC2] =	sst s2  }
0x8f: {  	_ = 	snop  }
0x90: {  	s2 =	sld [smem:$0x3FD0];
	(tm) =	ssettm $0x1  }
0x91: {  	s18 =	sld [smem:$0x3FFB];
	_ =	sdelay $0x3  }
0x92: {  	_ =	strace s18  }
0x93: {  	s3 =	sld [smem:$0x3FFC];
	_ =	sdelay $0x3  }
0x94: {  	_ =	strace s3  }
0x95: {  	s3 =	sld [smem:$0x3FFD];
	_ =	sdelay $0x3  }
0x96: {  	_ =	strace s3  }
0x97: {  	_ =	strace $0x8FFFFFFF  }
0x98: {  	s19 =	sld [smem:$0x3FDB];
	_ =	sdelay $0x1  }
0x99: {  	s4 =	simm.s32 $_scs_section_size  }
0x9a: {  	s5 =	simm.s32 $_size__tile_overlayer_lowered;
	s6 =	simm.s32 $_tile_overlayer_lowered  }
0x9b: {  	s22 =	simm.s32 $0x1BFF;
	s21 =	sshll.u32 s6, $0x1;
	s3 =	sadd.s32 s4, s19  }
0x9c: {  	s7 =	simm.s32 $0x0;
	s20 =	sshll.u32 s5, $0x1;
	s5 =	sadd.s32 s21, s3  }
0x9d: {  	[timem:s7], [sflag:s22] =	dma.local [hbm:s5], s20  }
0x9e: {  	_ =	swait.ge [sflag:s22], s20  }
0x9f: {  	s4 =	ssub.s32 $0x0, s20;
	[sflag:s22] =	ssyncset.done $0x0  }
0xa0: {  	[sflag:s22] =	ssyncadd.s32 s4;
	_ =	sdelay $0x1  }
0xa1: {  	s23 =	simm.s32 $0x1B8B  }
0xa2: {  	_ =	swait.ge [sflag:s23], $0x1  }
0xa3: {  	[sflag:s23] =	ssyncset.done $0x0  }
0xa4: {  	s25 =	simm.s32 $0x1B8E;
	s24 =	sld [smem:$0x3FFE];
	[sflag:s23] =	ssyncadd.s32 $0xFFFFFFFF  }
0xa5: {  	s26 =	simm.s32 $execute0_lowered;
	[smem:$0x3FD2] =	sst s25  }
0xa6: {  	s5 =	sshll.u32 s26, $0x1;
	_ =	strace $0x80000046;
	[dreg:$0x1] =	wrdreg $0xFFFFFFFF  }
0xa7: {  	s28 =	simm.s32 $_size_execute0_lowered;
	s3 =	sadd.s32 s3, s5;
	[dreg:$0x0] =	wrdreg $0x0  }
0xa8: {  	s5 =	sshll.u32 s28, $0x1;
	[dreg:$0x2] =	wrdreg s3  }
0xa9: {  	[dreg:$0x3] =	wrdreg s5  }
0xaa: {  	[dreg:$0x4] =	wrdreg $0xC0  }
0xab: {  	_ =	task [dreg:s7], $0x5FFFF  }
0xac: {  	[dreg:$0x1] =	wrdreg $0xFFFFFFFF  }
0xad: {  	[dreg:$0x0] =	wrdreg $0x60  }
0xae: {  	[dreg:$0x2] =	wrdreg s24  }
0xaf: {  	[dreg:$0x3] =	wrdreg s2  }
0xb0: {  	[dreg:$0x4] =	wrdreg $0x9  }
0xb1: {  	_ =	task.clear_ibuf [dreg:s7], $0x5FFFF;
	_ =	strace $0x90000046  }
0xb2: {  	s29 =	simm.s32 $0x9;
	_ =	strace $0x80000048  }
0xb3: {  	_ =	swait.ge [sflag:s29], $0x1  }
0xb4: {  	[sflag:s29] =	ssyncadd.s32 $0xFFFFFFFF  }
0xb5: {  	_ =	strace $0x90000048  }
0xb6: {  	_ =	sfence  }
0xb7: {  	s30 =	sld [smem:$0x0];
	_ =	sdelay $0x2  }
0xb8: {  	s31 =	sshll.u32 s1, $0xD;
	s1 =	sshrl.u32 s1, $0x2  }
0xb9: {  	s3 =	sand.u32 $0x4000, s31;
	s1 =	sadd.s32 s1, s30  }
0xba: {  	s0 =	sor.u32 s3, s0;
	s1 =	sshll.u32 s1, $0x11  }
0xbb: {  	s0 =	sor.u32 s1, s0  }
0xbc: {  	s0 =	sadd.s32 $0x8F2B, s0  }
0xbd: {  	[sflag:s0] =	ssyncadd.remote.s32 $0x1  }
0xbe: {  	_ =	sfence.sel $0xFFFF  }
0xbf: {  	[dreg:$0x0] =	wrdreg $0xFFFFFFFF;
	(pc) =	sbr.abs _section_cstart, $3  }
0xc0: {  	[dreg:$0x1] =	wrdreg $0xFFFFFFFF  }
0xc1: {  	_ =	task.clear_ibuf [dreg:s7], $0x2FFFF;
	_ =	strace $0x9FFFFFFF  }
0xc2: {  	(tm) =	ssettm $0x7FFFFFFF  }
0xc3: {  	_ =	shalt  }
tec
execute0_lowered:
.L_overlay_start_1:
0x0: {  	(tag) =	ssettag $0x1  }
0x1: {  	s5 =	rddreg [dreg:$0x0];
	s1 =	srdreg.scid  }
0x2: {  	s0 =	stileid.u32;
	s6 =	rddreg [dreg:$0x1]  }
0x3: {  	s2 =	simm.s32 $0x0;
	s11 =	simm.s32 $0x6400;
	s12 =	simm.s32 $0xC800  }
0x4: {  	s13 =	simm.s32 $0x1;
	s7 =	sand.u32 $0x1, s1;
	s3 =	sshll.u32 s0, $0x1  }
0x5: {  	s14 =	simm.s32 $0x12C00;
	s15 =	simm.s32 $0x19000;
	s3 =	sor.u32 s7, s3  }
0x6: {  	s16 =	simm.s32 $0x0;
	[smem:$0x7FF] =	sst s2;
	s8 =	smul.u32 $0x6400, s3  }
0x7: {  	s1 =	rddreg [dreg:$0x2];
	s4 =	sadd.s32 $0x38600, s5;
	_ =	strace $0x80000047  }
0x8: {  	s7 =	ssub.s32 $0x2, s7;
	s3 =	sadd.s32 $0x19C00, s5;
	s8 =	sshrl.u32 s8, $0x3  }
0x9: {  	s10 =	sshrl.u32 s7, $0x1;
	s9 =	sadd.s32 s8, s5;
	s5 =	sadd.s32 s6, s8  }
0xa: {  	s10 =	ssub.s32 s7, s10;
	s6 =	sadd.s32 $0xC00, s9;
	s7 =	sadd.s32 $0x19000, s5  }
0xb: {  	s8 =	sadd.s32 $0x32000, s5;
	s9 =	smax.u32 s10, $0x1;
	s10 =	simm.s32 $0x2  }
.LBB2_1:
0xc: {  	[tilespmem:s2], [sflag:$0x2] =	stream.linear.gather [hbm4b:s6+s2], $0x6400, $0x38;
	[tilespmem:$0x1F400] =	vst v63  }
0xd: {  	_ =	swait.ge [sflag:s10], $0x6400  }
0xe: {  	[sflag:s10] =	ssyncset.done $0x0  }
0xf: {  	[sflag:s10] =	ssyncadd.s32 $0xFFFF9C00  }
0x10: {  	[tilespmem:s11], [sflag:$0x1] =	stream.indirect.gather [hbm4b:s3+s11], $0x1, s2, s11, $0xb8;
	[tilespmem:$0x1F400] =	vst v63  }
0x11: {  	_ = 	snop  }
0x12: {  	[tilespmem:s12], [sflag:$0x1] =	stream.indirect.gather [hbm4b:s4+s11], $0x1, s2, s11, $0xb8;
	[tilespmem:$0x1F400] =	vst v63  }
0x13: {  	_ =	swait.ge [sflag:s13], $0x6400  }
0x14: {  	[sflag:s13] =	ssyncset.done $0x0  }
0x15: {  	[sflag:s13] =	ssyncadd.s32 $0xFFFF9C00  }
0x16: {  	_ =	swait.ge [sflag:s13], $0x6400  }
0x17: {  	[sflag:s13] =	ssyncset.done $0x0  }
0x18: {  	s17 =	simm.s32 $0xC840;
	[sflag:s13] =	ssyncadd.s32 $0xFFFF9C00  }
0x19: {  	v0 =	vld [tilespmem:s17+$0xFFFFFFC0];
	_ =	sdelay $0x4  }
0x1a: {  	s18 =	simm.s32 $0x12C40;
	v1 =	vand.u32 $0xFFFF0000, v0  }
0x1b: {  	s19 =	simm.s32 $0x19040;
	v0 =	vshll.u32 v0, $0x10;
	[tilespmem:s18+$0xFFFFFFC0] =	vst v1  }
0x1c: {  	[tilespmem:s19+$0xFFFFFFC0] =	vst v0  }
0x1d: {  	v0 =	vld [tilespmem:s17+$0xFFFFFFD0];
	_ =	sdelay $0x4  }
0x1e: {  	v1 =	vand.u32 $0xFFFF0000, v0  }
0x1f: {  	v0 =	vshll.u32 v0, $0x10;
	[tilespmem:s18+$0xFFFFFFD0] =	vst v1  }
0x20: {  	[tilespmem:s19+$0xFFFFFFD0] =	vst v0  }
0x21: {  	v0 =	vld [tilespmem:s17+$0xFFFFFFE0];
	_ =	sdelay $0x4  }
0x22: {  	v1 =	vand.u32 $0xFFFF0000, v0  }
0x23: {  	v0 =	vshll.u32 v0, $0x10;
	[tilespmem:s18+$0xFFFFFFE0] =	vst v1  }
0x24: {  	[tilespmem:s19+$0xFFFFFFE0] =	vst v0  }
0x25: {  	v0 =	vld [tilespmem:s17+$0xFFFFFFF0];
	_ =	sdelay $0x4  }
0x26: {  	v1 =	vand.u32 $0xFFFF0000, v0  }
0x27: {  	v0 =	vshll.u32 v0, $0x10;
	[tilespmem:s18+$0xFFFFFFF0] =	vst v1  }
0x28: {  	[tilespmem:s19+$0xFFFFFFF0] =	vst v0  }
0x29: {  	v0 =	vld [tilespmem:s17+$0x0];
	_ =	sdelay $0x4  }
0x2a: {  	v1 =	vand.u32 $0xFFFF0000, v0  }
0x2b: {  	v0 =	vshll.u32 v0, $0x10;
	[tilespmem:s18+$0x0] =	vst v1  }
0x2c: {  	[tilespmem:s19+$0x0] =	vst v0  }
0x2d: {  	v0 =	vld [tilespmem:s17+$0x10];
	_ =	sdelay $0x4  }
0x2e: {  	v1 =	vand.u32 $0xFFFF0000, v0  }
0x2f: {  	v0 =	vshll.u32 v0, $0x10;
	[tilespmem:s18+$0x10] =	vst v1  }
0x30: {  	[tilespmem:s19+$0x10] =	vst v0  }
0x31: {  	v0 =	vld [tilespmem:s17+$0x20];
	_ =	sdelay $0x4  }
0x32: {  	v1 =	vand.u32 $0xFFFF0000, v0  }
0x33: {  	v0 =	vshll.u32 v0, $0x10;
	[tilespmem:s18+$0x20] =	vst v1  }
0x34: {  	[tilespmem:s19+$0x20] =	vst v0  }
0x35: {  	v0 =	vld [tilespmem:s17+$0x30];
	_ =	sdelay $0x4  }
0x36: {  	v1 =	vand.u32 $0xFFFF0000, v0  }
0x37: {  	s20 =	simm.s32 $0x0;
	s21 =	simm.s32 $0x190C0;
	v0 =	vshll.u32 v0, $0x10;
	[tilespmem:s18+$0x30] =	vst v1  }
.LBB2_2:
0x38: {  	s20 =	sadd.s32 $0x8, s20;
	[tilespmem:s19+$0x30] =	vst v0;
	s17 =	sadd.s32 $0x80, s17;
	s18 =	sadd.s32 $0x80, s18  }
0x39: {  	s19 =	smov.u32 s21;
	v0 =	vld [tilespmem:s17+$0xFFFFFFC0];
	p0 =	slt.u32 s20, $0x638;
	_ =	sdelay $0x4  }
0x3a: {  	v1 =	vand.u32 $0xFFFF0000, v0  }
0x3b: {  	v0 =	vshll.u32 v0, $0x10;
	[tilespmem:s18+$0xFFFFFFC0] =	vst v1  }
0x3c: {  	[tilespmem:s21+$0xFFFFFFC0] =	vst v0  }
0x3d: {  	v0 =	vld [tilespmem:s17+$0xFFFFFFD0];
	_ =	sdelay $0x4  }
0x3e: {  	v1 =	vand.u32 $0xFFFF0000, v0  }
0x3f: {  	v0 =	vshll.u32 v0, $0x10;
	[tilespmem:s18+$0xFFFFFFD0] =	vst v1  }
0x40: {  	[tilespmem:s21+$0xFFFFFFD0] =	vst v0  }
0x41: {  	v0 =	vld [tilespmem:s17+$0xFFFFFFE0];
	_ =	sdelay $0x4  }
0x42: {  	v1 =	vand.u32 $0xFFFF0000, v0  }
0x43: {  	v0 =	vshll.u32 v0, $0x10;
	[tilespmem:s18+$0xFFFFFFE0] =	vst v1  }
0x44: {  	[tilespmem:s21+$0xFFFFFFE0] =	vst v0  }
0x45: {  	v0 =	vld [tilespmem:s17+$0xFFFFFFF0];
	_ =	sdelay $0x4  }
0x46: {  	v1 =	vand.u32 $0xFFFF0000, v0  }
0x47: {  	v0 =	vshll.u32 v0, $0x10;
	[tilespmem:s18+$0xFFFFFFF0] =	vst v1  }
0x48: {  	[tilespmem:s21+$0xFFFFFFF0] =	vst v0  }
0x49: {  	v0 =	vld [tilespmem:s17+$0x0];
	_ =	sdelay $0x4  }
0x4a: {  	v1 =	vand.u32 $0xFFFF0000, v0  }
0x4b: {  	v0 =	vshll.u32 v0, $0x10;
	[tilespmem:s18+$0x0] =	vst v1  }
0x4c: {  	[tilespmem:s21+$0x0] =	vst v0  }
0x4d: {  	v0 =	vld [tilespmem:s17+$0x10];
	_ =	sdelay $0x4  }
0x4e: {  	v1 =	vand.u32 $0xFFFF0000, v0  }
0x4f: {  	v0 =	vshll.u32 v0, $0x10;
	[tilespmem:s18+$0x10] =	vst v1  }
0x50: {  	[tilespmem:s21+$0x10] =	vst v0  }
0x51: {  	v0 =	vld [tilespmem:s17+$0x20];
	_ =	sdelay $0x4  }
0x52: {  	v1 =	vand.u32 $0xFFFF0000, v0  }
0x53: {  	v0 =	vshll.u32 v0, $0x10;
	[tilespmem:s18+$0x20] =	vst v1  }
0x54: {  	[tilespmem:s21+$0x20] =	vst v0  }
0x55: {  	v0 =	vld [tilespmem:s17+$0x30];
	_ =	sdelay $0x1  }
.Ltmp0:
0x56: {  	(pc) =	sbr.rel @p0 .LBB2_2-.Ltmp0, $3  }
0x57: {  	_ =	sdelay $0x1  }
0x58: {  	v1 =	vand.u32 $0xFFFF0000, v0  }
0x59: {  	s21 =	sadd.s32 $0x80, s21;
	v0 =	vshll.u32 v0, $0x10;
	[tilespmem:s18+$0x30] =	vst v1  }
0x5a: {  	[tilespmem:s19+$0x30] =	vst v0  }
0x5b: {  	[hbm4b:s5+s2] =	stream.linear.scatter [tilespmem:s11], [sflag:$0x2], $0x6400, $0x38;
	[tilespmem:$0x1F400] =	vst v63  }
0x5c: {  	_ =	swait.ge [sflag:s10], $0x6400  }
0x5d: {  	[sflag:s10] =	ssyncset.done $0x0  }
0x5e: {  	[sflag:s10] =	ssyncadd.s32 $0xFFFF9C00  }
0x5f: {  	[hbm4b:s7+s2] =	stream.linear.scatter [tilespmem:s14], [sflag:$0x2], $0x6400, $0x38;
	[tilespmem:$0x1F400] =	vst v63  }
0x60: {  	s16 =	sadd.s32 $0x1, s16;
	_ =	swait.ge [sflag:s10], $0x6400  }
0x61: {  	p0 =	sne.s32 s16, s9;
	[sflag:s10] =	ssyncset.done $0x0  }
.Ltmp1:
0x62: {  	[sflag:s10] =	ssyncadd.s32 $0xFFFF9C00;
	(pc) =	sbr.rel @p0 .LBB2_1-.Ltmp1, $4  }
0x63: {  	[hbm4b:s8+s2] =	stream.linear.scatter [tilespmem:s15], [sflag:$0x2], $0x6400, $0x38;
	[tilespmem:$0x1F400] =	vst v63  }
0x64: {  	_ =	swait.ge [sflag:s10], $0x6400  }
0x65: {  	[sflag:s10] =	ssyncset.done $0x0  }
0x66: {  	[sflag:s10] =	ssyncadd.s32 $0xFFFF9C00  }
0x67: {  	_ =	sfence.sel $0x180000  }
0x68: {  	[bflag:$0x0] =	sbarrier.arrive $0xFFFF  }
0x69: {  	p0 =	sne.s32 s0, $0x0;
	_ =	strace $0x90000047  }
0x6a: {  	s0 =	sadd.s32 @!p0 $0x100000, s1;
	[bflag:$0x2] =	sbarrier.arrive $0xFFFF  }
0x6b: {  	[sflag:s0] =	ssyncadd.tile.s32 @!p0 $0x1;
	_ =	shalt  }
.Lfunc_end2:
_tile_overlayer_lowered:
.L_overlay_start_2:
0x6c: {  	(tag) =	ssettag $0x2  }
0x6d: {  	s0 =	rddreg [dreg:$0x0];
	s2 =	stileid.u32  }
0x6e: {  	s1 =	rddreg [dreg:$0x1];
	p0 =	sne.s32 s2, $0x0  }
0x6f: {  	s3 =	rddreg [dreg:$0x2];
	[bflag:$0x3] =	sbarrier.arrive $0xFFFF;
	s2 =	simm.s32 @!p0 $0x1C02  }
0x70: {  	[timem:s3], [sflag:s2] =	dma.local @!p0 [hbm:s0], s1  }
0x71: {  	s0 =	simm.s32 @!p0 $0x2  }
0x72: {  	_ =	swait.ge @!p0 [sflag:s0], s1  }
0x73: {  	s1 =	ssub.s32 @!p0 $0x0, s1;
	[sflag:s0] =	ssyncset.done @!p0 $0x0  }
0x74: {  	[sflag:s0] =	ssyncadd.s32 @!p0 s1  }
0x75: {  	[bflag:$0x3] =	sbarrier.arrive $0xFFFF  }
0x76: {  	_ =	shalt  }

</sc_bundles>
